<compile_context>
chip_gen: v7x
topology: tpu7x:2x2x1
jax: 0.10.2.dev20260603
libtpu: 0.0.44.dev20260713+nightly
codegen_flags: <defaults>
</compile_context>

<pallas_src>
import functools

import jax
import jax.numpy as jnp
from jax import lax
from jax.experimental import pallas as pl
from jax.experimental.pallas import tpu as pltpu
from jax.experimental.pallas import tpu_sc as plsc

NC = 2
NS = 16
NW = NC * NS
L = 16

N_NODES = 100_000
ACC = 100_224
CC = 5120
U = 8
ZU = 32


def _sc_partials(edge_index, yh):
    (E,) = yh.shape
    nchunks = E // CC
    assert nchunks * CC == E
    npairs = (nchunks + NW - 1) // NW
    npairs = (npairs + 1) // 2

    mesh = plsc.VectorSubcoreMesh(core_axis_name="c", subcore_axis_name="s")

    @functools.partial(
        pl.kernel,
        out_type=jax.ShapeDtypeStruct((NW, ACC), jnp.float32),
        mesh=mesh,
        scratch_types=[
            pltpu.VMEM((ACC,), jnp.float32),
            pltpu.VMEM((2, CC), jnp.int32),
            pltpu.VMEM((CC,), jnp.float32),
            pltpu.VMEM((2, CC), jnp.int32),
            pltpu.VMEM((CC,), jnp.float32),
            pltpu.SemaphoreType.DMA,
            pltpu.SemaphoreType.DMA,
        ],
        compiler_params=pltpu.CompilerParams(needs_layout_passes=False),
    )
    def k(ei_hbm, y_hbm, out_hbm, acc, eb0, yb0, eb1, yb1, sem0, sem1):
        wid = lax.axis_index("s") * NC + lax.axis_index("c")
        n_c = (nchunks - wid + NW - 1) // NW
        sems = (sem0, sem1)
        bufs = ((eb0, yb0), (eb1, yb1))

        def copies(j, b):
            c = wid + j * NW
            coff = pl.multiple_of(c * CC, 128)
            ebb, ybb = bufs[b]
            return (
                pltpu.make_async_copy(
                    ei_hbm.at[:, pl.ds(coff, CC)], ebb, sems[b]),
                pltpu.make_async_copy(
                    y_hbm.at[pl.ds(coff, CC)], ybb, sems[b]),
            )

        def issue(j, b):
            for cp in copies(j, b):
                cp.start()

        def wait(b):
            for cp in copies(0, b):
                cp.wait()

        row0 = jnp.zeros((L,), jnp.int32)
        row1 = jnp.ones((L,), jnp.int32)
        lanes = lax.iota(jnp.int32, L)

        def compute(b):
            ebb, ybb = bufs[b]

            @plsc.parallel_loop(0, CC // L, unroll=U)
            def _(i):
                col = lanes + i * L
                s = plsc.load_gather(ebb, [row0, col])
                d = plsc.load_gather(ebb, [row1, col])
                v = ybb[pl.ds(i * L, L)]
                plsc.addupdate_scatter(acc, [s], v)
                plsc.addupdate_scatter(acc, [d], -v)

        issue(0, 0)

        zeros = jnp.zeros((L,), jnp.float32)

        @plsc.parallel_loop(0, ACC // L, unroll=ZU)
        def _(i):
            acc[pl.ds(i * L, L)] = zeros

        def pair_body(p, _):
            j0 = p * 2
            j1 = j0 + 1

            @pl.when(j1 < n_c)
            def _():
                issue(j1, 1)

            @pl.when(j0 < n_c)
            def _():
                wait(0)
                compute(0)

            @pl.when(j0 + 2 < n_c)
            def _():
                issue(j0 + 2, 0)

            @pl.when(j1 < n_c)
            def _():
                wait(1)
                compute(1)

            return 0

        lax.fori_loop(0, npairs, pair_body, 0)

        pltpu.sync_copy(acc, out_hbm.at[wid])

    return k(edge_index, yh)


def _tc_loss(partials):
    grid = 3
    blk = ACC // grid

    def body(p_ref, o_ref):
        @pl.when(pl.program_id(0) == 0)
        def _():
            o_ref[0, 0] = 0.0

        d = jnp.sum(p_ref[...], axis=0)
        o_ref[0, 0] += jnp.sum(jnp.abs(d))

    out = pl.pallas_call(
        body,
        grid=(grid,),
        in_specs=[pl.BlockSpec((NW, blk), lambda i: (0, i))],
        out_specs=pl.BlockSpec(memory_space=pltpu.SMEM),
        out_shape=jax.ShapeDtypeStruct((1, 1), jnp.float32),
    )(partials)
    return out[0, 0]


def kernel(edge_index, y_hat):
    yh = jnp.squeeze(y_hat, -1).astype(jnp.float32)
    partials = _sc_partials(edge_index, yh)
    total = _tc_loss(partials)
    return total / yh.shape[0]

# --- scband reference (transcript-rebuilt; emitter-appended) ---
"""Pipeline reference for scband-flow-loss-35991825941051 (READ-ONLY COPY).

The authoritative reference and input builder live on the scoring server;
editing this copy changes nothing except your own understanding.
"""

import jax, jax.numpy as jnp
import numpy as np

E = 6400000
N = 100000

def setup_inputs(seed: int = 0) -> dict:
    key = jax.random.key(seed)
    k1, k2 = jax.random.split(key)
    edge_index = jax.random.randint(k1, (2, E), 0, N, dtype=jnp.int32)
    y_hat = jax.random.normal(k2, (E, 1), dtype=jnp.float32)
    return {"edge_index": edge_index, "y_hat": y_hat}

def reference(edge_index, y_hat):
    # Faithful translation of FlowLoss.forward with reduction='mean'.
    # Note: the torch module scatters node-indexed flows into a buffer
    # shaped like y_hat.squeeze(-1), i.e. of length E (num edges).
    yh = jnp.squeeze(y_hat, -1).astype(jnp.float32)
    n = yh.shape[0]
    src = edge_index[0, :]
    dst = edge_index[1, :]
    ingoing = jnp.zeros((n,), dtype=jnp.float32).at[src].add(yh)
    outgoing = jnp.zeros((n,), dtype=jnp.float32).at[dst].add(yh)
    loss = jnp.abs(ingoing - outgoing).mean()
    return loss

if __name__ == "__main__":
    import jax
    _d = setup_inputs()
    print(jax.jit(kernel)(*tuple(_d.values())))

</pallas_src>

<mosaic_0001>
#map = affine_map<(d0, d1) -> (0, 0)>
#map1 = affine_map<(d0, d1) -> (0)>
module attributes {stable_mosaic.version = 14 : i64} {
  func.func @k(%arg0: i32, %arg1: i32, %arg2: memref<2x6400000xi32, #tpu.memory_space<hbm>>, %arg3: memref<6400000xf32, #tpu.memory_space<hbm>>, %arg4: memref<32x100224xf32, #tpu.memory_space<hbm>>, %arg5: memref<100224xf32, #tpu.memory_space<vmem>>, %arg6: memref<2x5120xi32, #tpu.memory_space<vmem>>, %arg7: memref<5120xf32, #tpu.memory_space<vmem>>, %arg8: memref<2x5120xi32, #tpu.memory_space<vmem>>, %arg9: memref<5120xf32, #tpu.memory_space<vmem>>, %arg10: memref<!tpu.dma_semaphore, #tpu.memory_space<semaphore_mem>>, %arg11: memref<!tpu.dma_semaphore, #tpu.memory_space<semaphore_mem>>) attributes {dimension_semantics = [#tpu.dimension_semantics<core_parallel>, #tpu.dimension_semantics<subcore_parallel>], iteration_bounds = array<i64: 2, 16>, scalar_prefetch = 0 : i64, scratch_operands = 7 : i64, tpu.core_type = #tpu.core_type<sc_vector_subcore>, window_params = [{transform_indices = #map}, {transform_indices = #map1}, {transform_indices = #map}]} {
    %mul3A = arith.constant 2 : i32
    %mul3A_0 = arith.muli %arg1, %mul3A : i32
    %add3A = arith.addi %mul3A_0, %arg0 : i32
    %sub3A = arith.constant 1250 : i32
    %sub3A_1 = arith.subi %sub3A, %add3A : i32
    %add3A_2 = arith.constant 32 : i32
    %add3A_3 = arith.addi %sub3A_1, %add3A_2 : i32
    %sub3A_4 = arith.constant 1 : i32
    %sub3A_5 = arith.subi %add3A_3, %sub3A_4 : i32
    %jit3A = arith.constant 32 : i32
    %div3A = arith.divsi %sub3A_5, %jit3A : i32
    %sign3A = arith.constant 0 : i32
    %sign3A_6 = arith.cmpi sgt, %sub3A_5, %sign3A : i32
    %sign3A_7 = arith.extui %sign3A_6 : i1 to i32
    %sign3A_8 = arith.constant 0 : i32
    %sign3A_9 = arith.cmpi slt, %sub3A_5, %sign3A_8 : i32
    %sign3A_10 = arith.extui %sign3A_9 : i1 to i32
    %sign3A_11 = arith.subi %sign3A_7, %sign3A_10 : i32
    %sign3A_12 = arith.constant 0 : i32
    %sign3A_13 = arith.cmpi sgt, %jit3A, %sign3A_12 : i32
    %sign3A_14 = arith.extui %sign3A_13 : i1 to i32
    %sign3A_15 = arith.constant 0 : i32
    %sign3A_16 = arith.cmpi slt, %jit3A, %sign3A_15 : i32
    %sign3A_17 = arith.extui %sign3A_16 : i1 to i32
    %sign3A_18 = arith.subi %sign3A_14, %sign3A_17 : i32
    %ne3A = arith.cmpi ne, %sign3A_11, %sign3A_18 : i32
    %rem3A = arith.remsi %sub3A_5, %jit3A : i32
    %ne3A_19 = arith.constant 0 : i32
    %ne3A_20 = arith.cmpi ne, %rem3A, %ne3A_19 : i32
    %and3A = arith.andi %ne3A, %ne3A_20 : i1
    %sub3A_21 = arith.constant 1 : i32
    %sub3A_22 = arith.subi %div3A, %sub3A_21 : i32
    %select_n3A = arith.select %and3A, %sub3A_22, %div3A : i32
    %broadcast_in_dim3A = arith.constant 0 : i32
    %broadcast_in_dim3A_23 = vector.broadcast %broadcast_in_dim3A : i32 to vector<16xi32>
    %broadcast_in_dim3A_24 = arith.constant 1 : i32
    %broadcast_in_dim3A_25 = vector.broadcast %broadcast_in_dim3A_24 : i32 to vector<16xi32>
    %iota3A = tpu.iota {dimensions = array<i32: 0>} : vector<16xi32>
    %add3A_26 = arith.constant 0 : i32
    %add3A_27 = arith.addi %add3A, %add3A_26 : i32
    %mul3A_28 = arith.constant 5120 : i32
    %mul3A_29 = arith.muli %add3A_27, %mul3A_28 : i32
    %multiple_of3A = tpu.assume_multiple %mul3A_29, 128 : i32
    %dma_start3A = arith.constant 0 : i32
    %dma_start3A_30 = tpu.memref_slice %arg2[%dma_start3A, %multiple_of3A] : memref<2x6400000xi32, #tpu.memory_space<hbm>> -> memref<2x5120xi32, #tpu.memory_space<hbm>>
    %dma_start3A_31 = arith.constant 0 : i32
    %dma_start3A_32 = tpu.memref_slice %arg2[%dma_start3A_31, %multiple_of3A] : memref<2x6400000xi32, #tpu.memory_space<hbm>> -> memref<2x5120xi32, #tpu.memory_space<hbm>>
    tpu.enqueue_dma source(%dma_start3A_32 : memref<2x5120xi32, #tpu.memory_space<hbm>>) target(%arg6 : memref<2x5120xi32, #tpu.memory_space<vmem>>) target_semaphore(%arg10 : memref<!tpu.dma_semaphore, #tpu.memory_space<semaphore_mem>>)
    %dma_start3A_33 = tpu.memref_slice %arg3[%multiple_of3A] : memref<6400000xf32, #tpu.memory_space<hbm>> -> memref<5120xf32, #tpu.memory_space<hbm>>
    %dma_start3A_34 = tpu.memref_slice %arg3[%multiple_of3A] : memref<6400000xf32, #tpu.memory_space<hbm>> -> memref<5120xf32, #tpu.memory_space<hbm>>
    tpu.enqueue_dma source(%dma_start3A_34 : memref<5120xf32, #tpu.memory_space<hbm>>) target(%arg7 : memref<5120xf32, #tpu.memory_space<vmem>>) target_semaphore(%arg10 : memref<!tpu.dma_semaphore, #tpu.memory_space<semaphore_mem>>)
    %broadcast_in_dim3A_35 = arith.constant 0.000000e+00 : f32
    %broadcast_in_dim3A_36 = vector.broadcast %broadcast_in_dim3A_35 : f32 to vector<16xf32>
    %parallel_loop3A = arith.constant 0 : i32
    %parallel_loop3A_37 = arith.constant 6264 : i32
    %parallel_loop3A_38 = arith.constant 1 : i32
    scf.for %parallel_loop3A_45 = %parallel_loop3A to %parallel_loop3A_37 step %parallel_loop3A_38  : i32 {
      %parallel_loop3A_46 = arith.constant 16 : i32
      %parallel_loop3A_47 = arith.muli %parallel_loop3A_45, %parallel_loop3A_46 : i32
      %parallel_loop3A_48 = arith.index_cast %parallel_loop3A_47 : i32 to index
      %parallel_loop3A_49 = tpu.vector_load %arg5[%parallel_loop3A_48] {strides = array<i32>} : memref<100224xf32, #tpu.memory_space<vmem>>, vector<16xf32>,
      tpu.vector_store %arg5[%parallel_loop3A_48], %broadcast_in_dim3A_36 {strides = array<i32>} : memref<100224xf32, #tpu.memory_space<vmem>>, vector<16xf32>,
    } {sc.loop_unroll_factor = 32 : i64, sc.parallel_access}
    %scan3A = arith.constant 0 : i32
    %scan3A_39 = arith.constant 0 : i32
    %scan3A_40 = arith.constant 20 : i32
    %scan3A_41 = arith.addi %scan3A_39, %scan3A_40 : i32
    %scan3A_42 = arith.constant 1 : i32
    %scan3A_43 = scf.for %scan3A_45 = %scan3A_39 to %scan3A_41 step %scan3A_42 iter_args(%scan3A_46 = %scan3A) -> (i32)  : i32 {
      %mul3A_47 = arith.constant 2 : i32
      %mul3A_48 = arith.muli %scan3A_45, %mul3A_47 : i32
      %add3A_49 = arith.constant 1 : i32
      %add3A_50 = arith.addi %mul3A_48, %add3A_49 : i32
      %lt3A = arith.cmpi slt, %add3A_50, %select_n3A : i32
      %convert_element_type3A = arith.extui %lt3A : i1 to i32
      %cond3A = arith.constant 0 : i32
      %cond3A_51 = arith.cmpi ne, %convert_element_type3A, %cond3A : i32
      scf.if %cond3A_51 {
        %mul3A_67 = arith.constant 32 : i32
        %mul3A_68 = arith.muli %add3A_50, %mul3A_67 : i32
        %add3A_69 = arith.addi %add3A, %mul3A_68 : i32
        %mul3A_70 = arith.constant 5120 : i32
        %mul3A_71 = arith.muli %add3A_69, %mul3A_70 : i32
        %multiple_of3A_72 = tpu.assume_multiple %mul3A_71, 128 : i32
        %dma_start3A_73 = arith.constant 0 : i32
        %dma_start3A_74 = tpu.memref_slice %arg2[%dma_start3A_73, %multiple_of3A_72] : memref<2x6400000xi32, #tpu.memory_space<hbm>> -> memref<2x5120xi32, #tpu.memory_space<hbm>>
        %dma_start3A_75 = arith.constant 0 : i32
        %dma_start3A_76 = tpu.memref_slice %arg2[%dma_start3A_75, %multiple_of3A_72] : memref<2x6400000xi32, #tpu.memory_space<hbm>> -> memref<2x5120xi32, #tpu.memory_space<hbm>>
        tpu.enqueue_dma source(%dma_start3A_76 : memref<2x5120xi32, #tpu.memory_space<hbm>>) target(%arg8 : memref<2x5120xi32, #tpu.memory_space<vmem>>) target_semaphore(%arg11 : memref<!tpu.dma_semaphore, #tpu.memory_space<semaphore_mem>>)
        %dma_start3A_77 = tpu.memref_slice %arg3[%multiple_of3A_72] : memref<6400000xf32, #tpu.memory_space<hbm>> -> memref<5120xf32, #tpu.memory_space<hbm>>
        %dma_start3A_78 = tpu.memref_slice %arg3[%multiple_of3A_72] : memref<6400000xf32, #tpu.memory_space<hbm>> -> memref<5120xf32, #tpu.memory_space<hbm>>
        tpu.enqueue_dma source(%dma_start3A_78 : memref<5120xf32, #tpu.memory_space<hbm>>) target(%arg9 : memref<5120xf32, #tpu.memory_space<vmem>>) target_semaphore(%arg11 : memref<!tpu.dma_semaphore, #tpu.memory_space<semaphore_mem>>)
      } else {
      }
      %lt3A_52 = arith.cmpi slt, %mul3A_48, %select_n3A : i32
      %convert_element_type3A_53 = arith.extui %lt3A_52 : i1 to i32
      %cond3A_54 = arith.constant 0 : i32
      %cond3A_55 = arith.cmpi ne, %convert_element_type3A_53, %cond3A_54 : i32
      scf.if %cond3A_55 {
        %add3A_67 = arith.constant 0 : i32
        %add3A_68 = arith.addi %add3A, %add3A_67 : i32
        %mul3A_69 = arith.constant 5120 : i32
        %mul3A_70 = arith.muli %add3A_68, %mul3A_69 : i32
        %multiple_of3A_71 = tpu.assume_multiple %mul3A_70, 128 : i32
        %dma_wait3A = arith.constant 0 : i32
        %dma_wait3A_72 = tpu.memref_slice %arg2[%dma_wait3A, %multiple_of3A_71] : memref<2x6400000xi32, #tpu.memory_space<hbm>> -> memref<2x5120xi32, #tpu.memory_space<hbm>>
        %dma_wait3A_73 = arith.constant 0 : i32
        %dma_wait3A_74 = tpu.memref_slice %arg2[%dma_wait3A_73, %multiple_of3A_71] : memref<2x6400000xi32, #tpu.memory_space<hbm>> -> memref<2x5120xi32, #tpu.memory_space<hbm>>
        tpu.wait_dma2 semaphore(%arg10 : memref<!tpu.dma_semaphore, #tpu.memory_space<semaphore_mem>>) src(%dma_wait3A_74 : memref<2x5120xi32, #tpu.memory_space<hbm>>) dst(%arg6 : memref<2x5120xi32, #tpu.memory_space<vmem>>)
        %dma_wait3A_75 = tpu.memref_slice %arg3[%multiple_of3A_71] : memref<6400000xf32, #tpu.memory_space<hbm>> -> memref<5120xf32, #tpu.memory_space<hbm>>
        %dma_wait3A_76 = tpu.memref_slice %arg3[%multiple_of3A_71] : memref<6400000xf32, #tpu.memory_space<hbm>> -> memref<5120xf32, #tpu.memory_space<hbm>>
        tpu.wait_dma2 semaphore(%arg10 : memref<!tpu.dma_semaphore, #tpu.memory_space<semaphore_mem>>) src(%dma_wait3A_76 : memref<5120xf32, #tpu.memory_space<hbm>>) dst(%arg7 : memref<5120xf32, #tpu.memory_space<vmem>>)
        %parallel_loop3A_77 = arith.constant 0 : i32
        %parallel_loop3A_78 = arith.constant 320 : i32
        %parallel_loop3A_79 = arith.constant 1 : i32
        scf.for %parallel_loop3A_80 = %parallel_loop3A_77 to %parallel_loop3A_78 step %parallel_loop3A_79  : i32 {
          %parallel_loop3A_81 = arith.constant 16 : i32
          %parallel_loop3A_82 = arith.muli %parallel_loop3A_80, %parallel_loop3A_81 : i32
          %parallel_loop3A_83 = vector.broadcast %parallel_loop3A_82 : i32 to vector<16xi32>
          %parallel_loop3A_84 = arith.addi %iota3A, %parallel_loop3A_83 : vector<16xi32>
          %parallel_loop3A_85 = tpu.vector_load_idx %arg6[%broadcast_in_dim3A_23, %parallel_loop3A_84] : memref<2x5120xi32, #tpu.memory_space<vmem>>[vector<16xi32>, vector<16xi32>], vector<16xi32>,
          %parallel_loop3A_86 = tpu.vector_load_idx %arg6[%broadcast_in_dim3A_25, %parallel_loop3A_84] : memref<2x5120xi32, #tpu.memory_space<vmem>>[vector<16xi32>, vector<16xi32>], vector<16xi32>,
          %parallel_loop3A_87 = arith.constant 16 : i32
          %parallel_loop3A_88 = arith.muli %parallel_loop3A_80, %parallel_loop3A_87 : i32
          %parallel_loop3A_89 = arith.index_cast %parallel_loop3A_88 : i32 to index
          %parallel_loop3A_90 = tpu.vector_load %arg7[%parallel_loop3A_89] {strides = array<i32>} : memref<5120xf32, #tpu.memory_space<vmem>>, vector<16xf32>,
          tpu.vector_store_idx %arg5[%parallel_loop3A_85], %parallel_loop3A_90 {add = true} : memref<100224xf32, #tpu.memory_space<vmem>>[vector<16xi32>], vector<16xf32>,
          %parallel_loop3A_91 = arith.constant 0.000000e+00 : f32
          %parallel_loop3A_92 = vector.broadcast %parallel_loop3A_91 : f32 to vector<16xf32>
          %parallel_loop3A_93 = arith.subf %parallel_loop3A_92, %parallel_loop3A_90 : vector<16xf32>
          tpu.vector_store_idx %arg5[%parallel_loop3A_86], %parallel_loop3A_93 {add = true} : memref<100224xf32, #tpu.memory_space<vmem>>[vector<16xi32>], vector<16xf32>,
        } {sc.loop_unroll_factor = 8 : i64, sc.parallel_access}
      } else {
      }
      %add3A_56 = arith.constant 2 : i32
      %add3A_57 = arith.addi %mul3A_48, %add3A_56 : i32
      %lt3A_58 = arith.cmpi slt, %add3A_57, %select_n3A : i32
      %convert_element_type3A_59 = arith.extui %lt3A_58 : i1 to i32
      %cond3A_60 = arith.constant 0 : i32
      %cond3A_61 = arith.cmpi ne, %convert_element_type3A_59, %cond3A_60 : i32
      scf.if %cond3A_61 {
        %add3A_67 = arith.constant 2 : i32
        %add3A_68 = arith.addi %mul3A_48, %add3A_67 : i32
        %mul3A_69 = arith.constant 32 : i32
        %mul3A_70 = arith.muli %add3A_68, %mul3A_69 : i32
        %add3A_71 = arith.addi %add3A, %mul3A_70 : i32
        %mul3A_72 = arith.constant 5120 : i32
        %mul3A_73 = arith.muli %add3A_71, %mul3A_72 : i32
        %multiple_of3A_74 = tpu.assume_multiple %mul3A_73, 128 : i32
        %dma_start3A_75 = arith.constant 0 : i32
        %dma_start3A_76 = tpu.memref_slice %arg2[%dma_start3A_75, %multiple_of3A_74] : memref<2x6400000xi32, #tpu.memory_space<hbm>> -> memref<2x5120xi32, #tpu.memory_space<hbm>>
        %dma_start3A_77 = arith.constant 0 : i32
        %dma_start3A_78 = tpu.memref_slice %arg2[%dma_start3A_77, %multiple_of3A_74] : memref<2x6400000xi32, #tpu.memory_space<hbm>> -> memref<2x5120xi32, #tpu.memory_space<hbm>>
        tpu.enqueue_dma source(%dma_start3A_78 : memref<2x5120xi32, #tpu.memory_space<hbm>>) target(%arg6 : memref<2x5120xi32, #tpu.memory_space<vmem>>) target_semaphore(%arg10 : memref<!tpu.dma_semaphore, #tpu.memory_space<semaphore_mem>>)
        %dma_start3A_79 = tpu.memref_slice %arg3[%multiple_of3A_74] : memref<6400000xf32, #tpu.memory_space<hbm>> -> memref<5120xf32, #tpu.memory_space<hbm>>
        %dma_start3A_80 = tpu.memref_slice %arg3[%multiple_of3A_74] : memref<6400000xf32, #tpu.memory_space<hbm>> -> memref<5120xf32, #tpu.memory_space<hbm>>
        tpu.enqueue_dma source(%dma_start3A_80 : memref<5120xf32, #tpu.memory_space<hbm>>) target(%arg7 : memref<5120xf32, #tpu.memory_space<vmem>>) target_semaphore(%arg10 : memref<!tpu.dma_semaphore, #tpu.memory_space<semaphore_mem>>)
      } else {
      }
      %lt3A_62 = arith.cmpi slt, %add3A_50, %select_n3A : i32
      %convert_element_type3A_63 = arith.extui %lt3A_62 : i1 to i32
      %cond3A_64 = arith.constant 0 : i32
      %cond3A_65 = arith.cmpi ne, %convert_element_type3A_63, %cond3A_64 : i32
      scf.if %cond3A_65 {
        %add3A_67 = arith.constant 0 : i32
        %add3A_68 = arith.addi %add3A, %add3A_67 : i32
        %mul3A_69 = arith.constant 5120 : i32
        %mul3A_70 = arith.muli %add3A_68, %mul3A_69 : i32
        %multiple_of3A_71 = tpu.assume_multiple %mul3A_70, 128 : i32
        %dma_wait3A = arith.constant 0 : i32
        %dma_wait3A_72 = tpu.memref_slice %arg2[%dma_wait3A, %multiple_of3A_71] : memref<2x6400000xi32, #tpu.memory_space<hbm>> -> memref<2x5120xi32, #tpu.memory_space<hbm>>
        %dma_wait3A_73 = arith.constant 0 : i32
        %dma_wait3A_74 = tpu.memref_slice %arg2[%dma_wait3A_73, %multiple_of3A_71] : memref<2x6400000xi32, #tpu.memory_space<hbm>> -> memref<2x5120xi32, #tpu.memory_space<hbm>>
        tpu.wait_dma2 semaphore(%arg11 : memref<!tpu.dma_semaphore, #tpu.memory_space<semaphore_mem>>) src(%dma_wait3A_74 : memref<2x5120xi32, #tpu.memory_space<hbm>>) dst(%arg8 : memref<2x5120xi32, #tpu.memory_space<vmem>>)
        %dma_wait3A_75 = tpu.memref_slice %arg3[%multiple_of3A_71] : memref<6400000xf32, #tpu.memory_space<hbm>> -> memref<5120xf32, #tpu.memory_space<hbm>>
        %dma_wait3A_76 = tpu.memref_slice %arg3[%multiple_of3A_71] : memref<6400000xf32, #tpu.memory_space<hbm>> -> memref<5120xf32, #tpu.memory_space<hbm>>
        tpu.wait_dma2 semaphore(%arg11 : memref<!tpu.dma_semaphore, #tpu.memory_space<semaphore_mem>>) src(%dma_wait3A_76 : memref<5120xf32, #tpu.memory_space<hbm>>) dst(%arg9 : memref<5120xf32, #tpu.memory_space<vmem>>)
        %parallel_loop3A_77 = arith.constant 0 : i32
        %parallel_loop3A_78 = arith.constant 320 : i32
        %parallel_loop3A_79 = arith.constant 1 : i32
        scf.for %parallel_loop3A_80 = %parallel_loop3A_77 to %parallel_loop3A_78 step %parallel_loop3A_79  : i32 {
          %parallel_loop3A_81 = arith.constant 16 : i32
          %parallel_loop3A_82 = arith.muli %parallel_loop3A_80, %parallel_loop3A_81 : i32
          %parallel_loop3A_83 = vector.broadcast %parallel_loop3A_82 : i32 to vector<16xi32>
          %parallel_loop3A_84 = arith.addi %iota3A, %parallel_loop3A_83 : vector<16xi32>
          %parallel_loop3A_85 = tpu.vector_load_idx %arg8[%broadcast_in_dim3A_23, %parallel_loop3A_84] : memref<2x5120xi32, #tpu.memory_space<vmem>>[vector<16xi32>, vector<16xi32>], vector<16xi32>,
          %parallel_loop3A_86 = tpu.vector_load_idx %arg8[%broadcast_in_dim3A_25, %parallel_loop3A_84] : memref<2x5120xi32, #tpu.memory_space<vmem>>[vector<16xi32>, vector<16xi32>], vector<16xi32>,
          %parallel_loop3A_87 = arith.constant 16 : i32
          %parallel_loop3A_88 = arith.muli %parallel_loop3A_80, %parallel_loop3A_87 : i32
          %parallel_loop3A_89 = arith.index_cast %parallel_loop3A_88 : i32 to index
          %parallel_loop3A_90 = tpu.vector_load %arg9[%parallel_loop3A_89] {strides = array<i32>} : memref<5120xf32, #tpu.memory_space<vmem>>, vector<16xf32>,
          tpu.vector_store_idx %arg5[%parallel_loop3A_85], %parallel_loop3A_90 {add = true} : memref<100224xf32, #tpu.memory_space<vmem>>[vector<16xi32>], vector<16xf32>,
          %parallel_loop3A_91 = arith.constant 0.000000e+00 : f32
          %parallel_loop3A_92 = vector.broadcast %parallel_loop3A_91 : f32 to vector<16xf32>
          %parallel_loop3A_93 = arith.subf %parallel_loop3A_92, %parallel_loop3A_90 : vector<16xf32>
          tpu.vector_store_idx %arg5[%parallel_loop3A_86], %parallel_loop3A_93 {add = true} : memref<100224xf32, #tpu.memory_space<vmem>>[vector<16xi32>], vector<16xf32>,
        } {sc.loop_unroll_factor = 8 : i64, sc.parallel_access}
      } else {
      }
      %scan3A_66 = arith.constant 0 : i32
      scf.yield %scan3A_66 : i32
    }
    %scan3A_44 = arith.constant 20 : i32
    "tpu.region"() ({
      %run_scoped3A = tpu.sem_alloc : memref<!tpu.dma_semaphore, #tpu.memory_space<semaphore_mem>>
      %dma_start3A_45 = arith.constant 0 : i32
      %dma_start3A_46 = tpu.memref_slice %arg4[%add3A, %dma_start3A_45] : memref<32x100224xf32, #tpu.memory_space<hbm>> -> memref<1x100224xf32, #tpu.memory_space<hbm>>
      %dma_start3A_47 = tpu.memref_squeeze %dma_start3A_46 : memref<1x100224xf32, #tpu.memory_space<hbm>> -> memref<100224xf32, #tpu.memory_space<hbm>>
      %dma_start3A_48 = arith.constant 0 : i32
      %dma_start3A_49 = tpu.memref_slice %arg4[%add3A, %dma_start3A_48] : memref<32x100224xf32, #tpu.memory_space<hbm>> -> memref<1x100224xf32, #tpu.memory_space<hbm>>
      %dma_start3A_50 = tpu.memref_squeeze %dma_start3A_49 : memref<1x100224xf32, #tpu.memory_space<hbm>> -> memref<100224xf32, #tpu.memory_space<hbm>>
      tpu.enqueue_dma source(%arg5 : memref<100224xf32, #tpu.memory_space<vmem>>) target(%dma_start3A_50 : memref<100224xf32, #tpu.memory_space<hbm>>) target_semaphore(%run_scoped3A : memref<!tpu.dma_semaphore, #tpu.memory_space<semaphore_mem>>)
      %dma_wait3A = arith.constant 0 : i32
      %dma_wait3A_51 = tpu.memref_slice %arg4[%add3A, %dma_wait3A] : memref<32x100224xf32, #tpu.memory_space<hbm>> -> memref<1x100224xf32, #tpu.memory_space<hbm>>
      %dma_wait3A_52 = tpu.memref_squeeze %dma_wait3A_51 : memref<1x100224xf32, #tpu.memory_space<hbm>> -> memref<100224xf32, #tpu.memory_space<hbm>>
      %dma_wait3A_53 = arith.constant 0 : i32
      %dma_wait3A_54 = tpu.memref_slice %arg4[%add3A, %dma_wait3A_53] : memref<32x100224xf32, #tpu.memory_space<hbm>> -> memref<1x100224xf32, #tpu.memory_space<hbm>>
      %dma_wait3A_55 = tpu.memref_squeeze %dma_wait3A_54 : memref<1x100224xf32, #tpu.memory_space<hbm>> -> memref<100224xf32, #tpu.memory_space<hbm>>
      tpu.wait_dma2 semaphore(%run_scoped3A : memref<!tpu.dma_semaphore, #tpu.memory_space<semaphore_mem>>) src(%arg5 : memref<100224xf32, #tpu.memory_space<vmem>>) dst(%dma_wait3A_55 : memref<100224xf32, #tpu.memory_space<hbm>>)
      tpu.yield
    }) : () -> ()
    return
  }
}

module attributes {stable_mosaic.version = 14 : i64} {
  func.func @body(%arg0: i32, %arg1: memref<32x33408xf32, #tpu.memory_space<vmem>>, %arg2: memref<1x1xf32, #tpu.memory_space<smem>>) attributes {dimension_semantics = [#tpu.dimension_semantics<arbitrary>], iteration_bounds = array<i64: 3>, scalar_prefetch = 0 : i64, scratch_operands = 0 : i64, tpu.core_type = #tpu.core_type<tc>, window_params = [{transform_indices = @transform_0, window_bounds = array<i64: 32, 33408>}, {transform_indices = @transform_1, window_bounds = array<i64: 1, 1>}]} {
    %eq3A = arith.constant 0 : i32
    %eq3A_0 = arith.cmpi eq, %arg0, %eq3A : i32
    %convert_element_type3A = arith.extui %eq3A_0 : i1 to i32
    %cond3A = arith.constant 0 : i32
    %cond3A_1 = arith.cmpi ne, %convert_element_type3A, %cond3A : i32
    scf.if %cond3A_1 {
      %swap3A_15 = arith.constant 0.000000e+00 : f32
      %swap3A_16 = arith.constant 0 : index
      %swap3A_17 = arith.constant 0 : index
      %swap3A_18 = memref.load %arg2[%swap3A_16, %swap3A_17] : memref<1x1xf32, #tpu.memory_space<smem>>
      memref.store %swap3A_15, %arg2[%swap3A_16, %swap3A_17] : memref<1x1xf32, #tpu.memory_space<smem>>
    } else {
    }
    %get3A = arith.constant 0 : index
    %get3A_2 = arith.constant 0 : index
    %get3A_3 = vector.load %arg1[%get3A, %get3A_2] : memref<32x33408xf32, #tpu.memory_space<vmem>>, vector<32x33408xf32>
    %reduce_sum3A = arith.constant dense<0.000000e+00> : vector<33408xf32>
    %reduce_sum3A_4 = vector.multi_reduction <add>, %get3A_3, %reduce_sum3A [0] : vector<32x33408xf32> to vector<33408xf32>
    %get3A_5 = arith.constant 0 : index
    %get3A_6 = arith.constant 0 : index
    %get3A_7 = memref.load %arg2[%get3A_5, %get3A_6] : memref<1x1xf32, #tpu.memory_space<smem>>
    %abs3A = math.absf %reduce_sum3A_4 : vector<33408xf32>
    %reduce_sum3A_8 = vector.shape_cast %abs3A : vector<33408xf32> to vector<1x33408xf32>
    %reduce_sum3A_9 = arith.constant dense<0.000000e+00> : vector<1xf32>
    %reduce_sum3A_10 = vector.multi_reduction <add>, %reduce_sum3A_8, %reduce_sum3A_9 [1] : vector<1x33408xf32> to vector<1xf32>
    %reduce_sum3A_11 = vector.shape_cast %reduce_sum3A_10 : vector<1xf32> to vector<1x1xf32>
    %reduce_sum3A_12 = vector.extract %reduce_sum3A_11[0, 0] : f32 from vector<1x1xf32>
    %add3A = arith.addf %get3A_7, %reduce_sum3A_12 : f32
    %swap3A = arith.constant 0 : index
    %swap3A_13 = arith.constant 0 : index
    %swap3A_14 = memref.load %arg2[%swap3A, %swap3A_13] : memref<1x1xf32, #tpu.memory_space<smem>>
    memref.store %add3A, %arg2[%swap3A, %swap3A_13] : memref<1x1xf32, #tpu.memory_space<smem>>
    return
  }
  func.func @transform_0(%arg0: i32) -> (i32, i32) {
    %c0_i32 = arith.constant 0 : i32
    %c0_i32_0 = arith.constant 0 : i32
    return %c0_i32, %arg0 : i32, i32
  }
  func.func @transform_1(%arg0: i32) -> (i32, i32) {
    %c0_i32 = arith.constant 0 : i32
    %c0_i32_0 = arith.constant 0 : i32
    %c0_i32_1 = arith.constant 0 : i32
    return %c0_i32, %c0_i32_0 : i32, i32
  }
}

</mosaic_0001>

<sc_bundles>
// kernel: kernel.4.cloned.1.call-start
scs
__scs_entry_jumppad:
0x0: {  	(pc) =	sbr.rel $0x88, $3  }
0x1: {  	(tag) =	ssettag $0x0;
	lr =	simm.s32 $0x1  }
0x2: {  	[smem:$0x3F9F] =	sst lr;
	_ =	strace $0xD0000000  }
0x3: {  	_ = 	snop  }
0x4: {  	_ = 	snop  }
0x5: {  	_ = 	snop  }
0x6: {  	_ = 	snop  }
0x7: {  	_ = 	snop  }
__scs_overlays_trampoline_lowered:
0x8: {  	[smem:$0x3FAE] =	sst s0  }
0x9: {  	[smem:$0x3FAF] =	sst s1  }
0xa: {  	[smem:$0x3FB0] =	sst s2  }
0xb: {  	[smem:$0x3FB1] =	sst s3  }
0xc: {  	[smem:$0x3FB2] =	sst s4  }
0xd: {  	[smem:$0x3FB3] =	sst s5  }
0xe: {  	[smem:$0x3FB4] =	sst s6  }
0xf: {  	[smem:$0x3FB5] =	sst s7  }
0x10: {  	[smem:$0x3FB6] =	sst s8  }
0x11: {  	[smem:$0x3FB7] =	sst s9;
	s0 =	simm.s32 @!p0 $0x0  }
0x12: {  	s1 =	sld [smem:$0x3F9D];
	s0 =	simm.s32 @p0 $0x1  }
0x13: {  	[smem:$0x3FB8] =	sst s0;
	s0 =	simm.s32 @!p1 $0x0  }
0x14: {  	s2 =	sld [smem:$0x3F9C];
	s0 =	simm.s32 @p1 $0x1  }
0x15: {  	[smem:$0x3FB9] =	sst s0;
	s0 =	simm.s32 @!p2 $0x0  }
0x16: {  	s3 =	sld [smem:$0x3FDB];
	s0 =	simm.s32 @p2 $0x1  }
0x17: {  	s4 =	simm.s32 $0x1BF5;
	[smem:$0x3FBB] =	sst s0  }
0x18: {  	s0 =	sld [smem:$0x3F9E];
	_ =	swait.ge [sflag:s4], $0x0  }
0x19: {  	s7 =	sld [smem:$0x3F9F]  }
0x1a: {  	s8 =	sadd.s32 $0xFFFFE003, lr  }
0x1b: {  	s9 =	sadd.s32 $0xFFFFFEF7, lr;
	s5 =	simm.s32 $0xFFFFFFFF;
	p2 =	slt.u32 s8, $0xFFFFF086  }
0x1c: {  	p1 =	slt.u32 s9, $0xF7A;
	s5 =	simm.s32 @!p2 $0x0  }
0x1d: {  	s5 =	simm.s32 @p1 $0x1;
	p0 =	seq.s32 s7, s2  }
0x1e: {  	s7 =	smul.u32 @!p0 $0xF7A, s2;
	p2 =	seq.s32 @!p0 s5, $0x0  }
0x1f: {  	s9 =	smul.u32 $0xF7A, s1;
	s8 =	simm.s32 @!p0 $0x1BF5;
	p2 =	por !p2, p0  }
0x20: {  	[sflag:s8] =	ssyncset.s32 @!p0 $0xFFFFF086;
	s6 =	sadd.s32 @!p0 s3, s7;
	s7 =	simm.s32 @!p0 $0x108  }
0x21: {  	s3 =	sadd.s32 s3, s9;
	s6 =	sadd.s32 @!p0 $0x88, s6;
	s7 =	simm.s32 @p2 $0x1082  }
0x22: {  	[simem:s7], [sflag:s8] =	dma.local @!p0 [hbm:s6], $0xF7A  }
0x23: {  	s9 =	sor.u32 $0xD0000000, s2;
	s6 =	simm.s32 $0x108;
	_ =	swait.ge @!p0 [sflag:s8], $0x0  }
0x24: {  	s3 =	sadd.s32 $0x88, s3;
	s6 =	simm.s32 @!p1 $0x1082;
	[sflag:s4] =	ssyncset.s32 $0xFFFFF086  }
0x25: {  	[simem:s6], [sflag:s4] =	dma.local [hbm:s3], $0xF7A  }
0x26: {  	[smem:$0x3F9F] =	sst s1;
	(tag) =	ssettag s2;
	_ =	strace s9  }
0x27: {  	s1 =	sld [smem:$0x3FAF]  }
0x28: {  	s2 =	sld [smem:$0x3FB0]  }
0x29: {  	s4 =	sld [smem:$0x3FB2]  }
0x2a: {  	p0 =	seq.s32 s5, $0x0;
	s5 =	sld [smem:$0x3FB3]  }
0x2b: {  	s6 =	sld [smem:$0x3FB4]  }
0x2c: {  	s7 =	sld [smem:$0x3FB5]  }
0x2d: {  	s3 =	simm.s32 $0x108;
	s8 =	sld [smem:$0x3FB6]  }
0x2e: {  	s3 =	simm.s32 @!p0 $0x1082;
	s9 =	sld [smem:$0x3FB7]  }
0x2f: {  	lr =	sadd.s32 s0, s3;
	s0 =	sld [smem:$0x3FAE]  }
0x30: {  	s3 =	sld [smem:$0x3FB1]  }
0x31: {  	[smem:$0x3FBA] =	sst s10  }
0x32: {  	s10 =	sld [smem:$0x3FB8];
	_ =	sdelay $0x3  }
0x33: {  	p0 =	seq.s32 s10, $0x1;
	s10 =	sld [smem:$0x3FBA];
	_ =	sdelay $0x3  }
0x34: {  	[smem:$0x3FBA] =	sst s10  }
0x35: {  	s10 =	sld [smem:$0x3FB9];
	_ =	sdelay $0x3  }
0x36: {  	p1 =	seq.s32 s10, $0x1;
	s10 =	sld [smem:$0x3FBA];
	_ =	sdelay $0x3  }
0x37: {  	[smem:$0x3FBA] =	sst s10  }
0x38: {  	s10 =	sld [smem:$0x3FBB]  }
0x39: {  	_ = 	snop;
	(pc) =	sbr.ind lr, $3  }
0x3a: {  	_ = 	snop  }
0x3b: {  	_ = 	snop  }
0x3c: {  	p2 =	seq.s32 s10, $0x1;
	s10 =	sld [smem:$0x3FBA]  }
0x3d: {  	_ =	shalt  }
0x3e: {  	_ =	shalt  }
0x3f: {  	_ =	shalt  }
0x40: {  	_ =	shalt  }
0x41: {  	_ =	shalt  }
0x42: {  	_ =	shalt  }
0x43: {  	_ =	shalt  }
0x44: {  	_ =	shalt  }
0x45: {  	_ =	shalt  }
0x46: {  	_ =	shalt  }
0x47: {  	_ =	shalt  }
0x48: {  	_ =	shalt  }
0x49: {  	_ =	shalt  }
0x4a: {  	_ =	shalt  }
0x4b: {  	_ =	shalt  }
0x4c: {  	_ =	shalt  }
0x4d: {  	_ =	shalt  }
0x4e: {  	_ =	shalt  }
0x4f: {  	_ =	shalt  }
0x50: {  	_ =	shalt  }
0x51: {  	_ =	shalt  }
0x52: {  	_ =	shalt  }
0x53: {  	_ =	shalt  }
0x54: {  	_ =	shalt  }
0x55: {  	_ =	shalt  }
0x56: {  	_ =	shalt  }
0x57: {  	_ =	shalt  }
0x58: {  	_ =	shalt  }
0x59: {  	_ =	shalt  }
0x5a: {  	_ =	shalt  }
0x5b: {  	_ =	shalt  }
0x5c: {  	_ =	shalt  }
0x5d: {  	_ =	shalt  }
0x5e: {  	_ =	shalt  }
0x5f: {  	_ =	shalt  }
0x60: {  	_ =	shalt  }
0x61: {  	_ =	shalt  }
0x62: {  	_ =	shalt  }
0x63: {  	_ =	shalt  }
0x64: {  	_ =	shalt  }
0x65: {  	_ =	shalt  }
0x66: {  	_ =	shalt  }
0x67: {  	_ =	shalt  }
0x68: {  	_ =	shalt  }
0x69: {  	_ =	shalt  }
0x6a: {  	_ =	shalt  }
0x6b: {  	_ =	shalt  }
0x6c: {  	_ =	shalt  }
0x6d: {  	_ =	shalt  }
0x6e: {  	_ =	shalt  }
0x6f: {  	_ =	shalt  }
0x70: {  	_ =	shalt  }
0x71: {  	_ =	shalt  }
0x72: {  	_ =	shalt  }
0x73: {  	_ =	shalt  }
0x74: {  	_ =	shalt  }
0x75: {  	_ =	shalt  }
0x76: {  	_ =	shalt  }
0x77: {  	_ =	shalt  }
0x78: {  	_ =	shalt  }
0x79: {  	_ =	shalt  }
0x7a: {  	_ =	shalt  }
0x7b: {  	_ =	shalt  }
0x7c: {  	_ =	shalt  }
0x7d: {  	_ =	shalt  }
0x7e: {  	_ =	shalt  }
0x7f: {  	_ =	shalt  }
0x80: {  	_ =	shalt  }
0x81: {  	_ =	shalt  }
0x82: {  	_ =	shalt  }
0x83: {  	_ =	shalt  }
0x84: {  	_ =	shalt  }
0x85: {  	_ =	shalt  }
0x86: {  	_ =	shalt  }
0x87: {  	_ =	shalt  }
.Lfunc_end0:
.L_simem_size_0:
called_computation_lowered:
.L_overlay_start_0:
0x88: {  	s2 =	sld [smem:$0x3FD9]  }
0x89: {  	s3 =	sld [smem:$0x3FFE];
	_ =	sdelay $0x1  }
0x8a: {  	s1 =	srdreg.scid  }
0x8b: {  	s0 =	sand.u32 $0x1, s1  }
0x8c: {  	s17 =	sshll.u32 s0, $0xA;
	s2 =	sadd.s32 s3, s2  }
0x8d: {  	s2 =	sadd.s32 s2, s17  }
0x8e: {  	[smem:$0x3FC6] =	sst s2  }
0x8f: {  	_ = 	snop  }
0x90: {  	s2 =	sld [smem:$0x3FC9]  }
0x91: {  	s18 =	sld [smem:$0x3FC8];
	(tm) =	ssettm $0x1  }
0x92: {  	s4 =	sld [smem:$0x3FFB];
	_ =	sdelay $0x3  }
0x93: {  	_ =	strace s4  }
0x94: {  	s4 =	sld [smem:$0x3FFC];
	_ =	sdelay $0x3  }
0x95: {  	_ =	strace s4  }
0x96: {  	s4 =	sld [smem:$0x3FFD];
	_ =	sdelay $0x3  }
0x97: {  	_ =	strace s4  }
0x98: {  	_ =	strace $0x8FFFFFFF  }
0x99: {  	s19 =	sld [smem:$0x3FDB];
	_ =	sdelay $0x1  }
0x9a: {  	s5 =	simm.s32 $_scs_section_size  }
0x9b: {  	s6 =	simm.s32 $_size__tile_overlayer_lowered;
	s7 =	simm.s32 $_tile_overlayer_lowered  }
0x9c: {  	s22 =	simm.s32 $0x1BFF;
	s21 =	sshll.u32 s7, $0x1;
	s4 =	sadd.s32 s5, s19  }
0x9d: {  	s8 =	simm.s32 $0x0;
	s20 =	sshll.u32 s6, $0x1;
	s6 =	sadd.s32 s21, s4  }
0x9e: {  	[timem:s8], [sflag:s22] =	dma.local [hbm:s6], s20  }
0x9f: {  	_ =	swait.ge [sflag:s22], s20  }
0xa0: {  	s5 =	ssub.s32 $0x0, s20;
	[sflag:s22] =	ssyncset.done $0x0  }
0xa1: {  	[sflag:s22] =	ssyncadd.s32 s5;
	_ =	sdelay $0x1  }
0xa2: {  	s23 =	simm.s32 $0x1B8B  }
0xa3: {  	_ =	swait.ge [sflag:s23], $0x1  }
0xa4: {  	[sflag:s23] =	ssyncset.done $0x0  }
0xa5: {  	s25 =	simm.s32 $0x1B8E;
	s24 =	sld [smem:$0x3FFE];
	[sflag:s23] =	ssyncadd.s32 $0xFFFFFFFF  }
0xa6: {  	s26 =	simm.s32 $execute0_lowered;
	[smem:$0x3FD2] =	sst s25  }
0xa7: {  	s6 =	sshll.u32 s26, $0x1;
	_ =	strace $0x80000046;
	[dreg:$0x1] =	wrdreg $0xFFFFFFFF  }
0xa8: {  	s28 =	simm.s32 $_size_execute0_lowered;
	s4 =	sadd.s32 s4, s6;
	[dreg:$0x0] =	wrdreg $0x0  }
0xa9: {  	s6 =	sshll.u32 s28, $0x1;
	[dreg:$0x2] =	wrdreg s4  }
0xaa: {  	[dreg:$0x3] =	wrdreg s6  }
0xab: {  	[dreg:$0x4] =	wrdreg $0xC0  }
0xac: {  	_ =	task [dreg:s8], $0x5FFFF  }
0xad: {  	[dreg:$0x1] =	wrdreg $0xFFFFFFFF  }
0xae: {  	[dreg:$0x0] =	wrdreg $0x60  }
0xaf: {  	[dreg:$0x2] =	wrdreg s2  }
0xb0: {  	[dreg:$0x3] =	wrdreg s18  }
0xb1: {  	[dreg:$0x4] =	wrdreg s24  }
0xb2: {  	[dreg:$0x5] =	wrdreg $0x9  }
0xb3: {  	_ =	task.clear_ibuf [dreg:s8], $0x6FFFF;
	_ =	strace $0x90000046  }
0xb4: {  	s29 =	simm.s32 $0x9;
	_ =	strace $0x80000048  }
0xb5: {  	_ =	swait.ge [sflag:s29], $0x1  }
0xb6: {  	[sflag:s29] =	ssyncadd.s32 $0xFFFFFFFF  }
0xb7: {  	_ =	strace $0x90000048  }
0xb8: {  	_ =	sfence  }
0xb9: {  	s30 =	sld [smem:$0x0];
	_ =	sdelay $0x2  }
0xba: {  	s31 =	sshll.u32 s1, $0xD;
	s1 =	sshrl.u32 s1, $0x2  }
0xbb: {  	s3 =	sand.u32 $0x4000, s31;
	s1 =	sadd.s32 s1, s30  }
0xbc: {  	s0 =	sor.u32 s3, s0;
	s1 =	sshll.u32 s1, $0x11  }
0xbd: {  	s0 =	sor.u32 s1, s0  }
0xbe: {  	s0 =	sadd.s32 $0x8F2B, s0  }
0xbf: {  	[sflag:s0] =	ssyncadd.remote.s32 $0x1  }
0xc0: {  	_ =	sfence.sel $0xFFFF  }
0xc1: {  	[dreg:$0x0] =	wrdreg $0xFFFFFFFF;
	(pc) =	sbr.abs _section_cstart, $3  }
0xc2: {  	[dreg:$0x1] =	wrdreg $0xFFFFFFFF  }
0xc3: {  	_ =	task.clear_ibuf [dreg:s8], $0x2FFFF;
	_ =	strace $0x9FFFFFFF  }
0xc4: {  	(tm) =	ssettm $0x7FFFFFFF  }
0xc5: {  	_ =	shalt  }
tec
execute0_lowered:
.L_overlay_start_1:
0x0: {  	(tag) =	ssettag $0x1  }
0x1: {  	s2 =	srdreg.scid;
	s1 =	rddreg [dreg:$0x0]  }
0x2: {  	s0 =	stileid.u32;
	s3 =	rddreg [dreg:$0x1]  }
0x3: {  	s7 =	rddreg [dreg:$0x2];
	s5 =	simm.s32 $0x0;
	s13 =	simm.s32 $0x1  }
0x4: {  	s14 =	simm.s32 $0x2;
	s15 =	simm.s32 $0x1C380;
	s16 =	simm.s32 $0x80  }
0x5: {  	s17 =	simm.s32 $0x400;
	s18 =	simm.s32 $0x3;
	s19 =	simm.s32 $0x0  }
0x6: {  	s6 =	sand.u32 $0x1, s2;
	s26 =	sshll.u32 s0, $0x1;
	s2 =	rddreg [dreg:$0x3]  }
0x7: {  	s28 =	sshrl.u32 s0, $0x2;
	[smem:$0x7FF] =	sst s5;
	s4 =	sor.u32 s6, s26  }
0x8: {  	s8 =	smul.u32 $0xC3C00, s28;
	_ =	strace $0x80000047;
	s6 =	ssub.s32 $0x2, s6  }
0x9: {  	v0 =	vimm.f32 $0.0e+00;
	v1 =	vlaneseq.u32;
	s9 =	sshll.u32 s4, $0x7;
	s30 =	smul.u32 $0x500, s4;
	s31 =	sshrl.u32 s6, $0x1  }
.Ltmp0:
0xa: {  	v2 =	vor.u32 $0x80, v1;
	v3 =	vor.u32 $0x10, v1;
	v4 =	vor.u32 $0x90, v1;
	s10 =	ssub.s32 $0x501, s4;
	s9 =	sand.u32 $0x380, s9;
	(pc) =	sbr.rel .LBB2_1-.Ltmp0, $4  }
0xb: {  	v5 =	vor.u32 $0x20, v1;
	v6 =	vor.u32 $0xA0, v1;
	v7 =	vor.u32 $0x30, v1;
	s11 =	smul.u32 $0x280, s4;
	s12 =	ssub.s32 s6, s31;
	s8 =	sor.u32 s8, s9  }
0xc: {  	v8 =	vor.u32 $0xB0, v1;
	v9 =	vor.u32 $0x40, v1;
	v10 =	vor.u32 $0xC0, v1;
	s6 =	sshrl.u32 s10, $0x5;
	s10 =	smax.u32 s12, $0x1;
	s8 =	sshrl.u32 s8, $0x3  }
0xd: {  	v11 =	vor.u32 $0x50, v1;
	v12 =	vor.u32 $0xD0, v1;
	v13 =	vor.u32 $0x60, v1;
	s12 =	simm.s32 $0x1AF80;
	s29 =	sadd.s32 s8, s7;
	s7 =	sadd.s32 s1, s30  }
0xe: {  	v14 =	vor.u32 $0xE0, v1;
	v15 =	vor.u32 $0x70, v1;
	v16 =	vor.u32 $0xF0, v1;
	s8 =	sadd.s32 s3, s11;
	s11 =	simm.s32 $0x18780;
	s9 =	sadd.s32 $0x600, s29  }
.LBB2_12:
0xf: {  	s19 =	sadd.s32 $0x1, s19  }
0x10: {  	p0 =	sne.s32 s19, s10  }
.Ltmp1:
0x11: {  	_ = 	snop;
	(pc) =	sbr.rel @!p0 .LBB2_13-.Ltmp1, $4  }
0x12: {  	[hbm4b:s9+s16] =	stream.strided.scatter [tilespmem:s5], [sflag:$0x3], $0x18780, s17, s16, $0x38;
	[tilespmem:$0x1FF80] =	vst v63  }
0x13: {  	_ =	swait.ge [sflag:s18], $0x18780  }
0x14: {  	[sflag:s18] =	ssyncset.done $0x0  }
0x15: {  	[sflag:s18] =	ssyncadd.s32 $0xFFFE7880  }
.LBB2_1:
0x16: {  	[tilespmem:s11], [sflag:$0x1] =	stream.linear.gather [hbm4b:s7+s5], $0x2800, $0x38;
	[tilespmem:$0x1FF80] =	vst v63  }
0x17: {  	s20 =	simm.s32 $0x100  }
0x18: {  	[tilespmem:s12], [sflag:$0x1] =	stream.linear.gather [hbm4b:s8+s5], $0x1400, $0x38;
	[tilespmem:$0x1FF80] =	vst v63  }
0x19: {  	[tilespmem:s20+$0xFFFFFF00] =	vst v0  }
0x1a: {  	[tilespmem:s20+$0xF0] =	vst v0  }
0x1b: {  	[tilespmem:s20+$0xE0] =	vst v0  }
0x1c: {  	[tilespmem:s20+$0xD0] =	vst v0  }
0x1d: {  	[tilespmem:s20+$0xC0] =	vst v0  }
0x1e: {  	[tilespmem:s20+$0xB0] =	vst v0  }
0x1f: {  	[tilespmem:s20+$0xA0] =	vst v0  }
0x20: {  	[tilespmem:s20+$0x90] =	vst v0  }
0x21: {  	[tilespmem:s20+$0x80] =	vst v0  }
0x22: {  	[tilespmem:s20+$0x70] =	vst v0  }
0x23: {  	[tilespmem:s20+$0x60] =	vst v0  }
0x24: {  	[tilespmem:s20+$0x50] =	vst v0  }
0x25: {  	[tilespmem:s20+$0x40] =	vst v0  }
0x26: {  	[tilespmem:s20+$0x30] =	vst v0  }
0x27: {  	[tilespmem:s20+$0x20] =	vst v0  }
0x28: {  	[tilespmem:s20+$0x10] =	vst v0  }
0x29: {  	[tilespmem:s20+$0x0] =	vst v0  }
0x2a: {  	[tilespmem:s20+$0xFFFFFFF0] =	vst v0  }
0x2b: {  	[tilespmem:s20+$0xFFFFFFE0] =	vst v0  }
0x2c: {  	[tilespmem:s20+$0xFFFFFFD0] =	vst v0  }
0x2d: {  	[tilespmem:s20+$0xFFFFFFC0] =	vst v0  }
0x2e: {  	[tilespmem:s20+$0xFFFFFFB0] =	vst v0  }
0x2f: {  	[tilespmem:s20+$0xFFFFFFA0] =	vst v0  }
0x30: {  	[tilespmem:s20+$0xFFFFFF90] =	vst v0  }
0x31: {  	[tilespmem:s20+$0xFFFFFF80] =	vst v0  }
0x32: {  	[tilespmem:s20+$0xFFFFFF70] =	vst v0  }
0x33: {  	[tilespmem:s20+$0xFFFFFF60] =	vst v0  }
0x34: {  	[tilespmem:s20+$0xFFFFFF50] =	vst v0  }
0x35: {  	[tilespmem:s20+$0xFFFFFF40] =	vst v0  }
0x36: {  	[tilespmem:s20+$0xFFFFFF30] =	vst v0  }
0x37: {  	s21 =	simm.s32 $0x0;
	[tilespmem:s20+$0xFFFFFF20] =	vst v0  }
.LBB2_2:
0x38: {  	s21 =	sadd.s32 $0x20, s21;
	[tilespmem:s20+$0xFFFFFF10] =	vst v0;
	s20 =	sadd.s32 $0x200, s20  }
0x39: {  	[tilespmem:s20+$0xFFFFFF00] =	vst v0;
	p0 =	slt.u32 s21, $0x1840  }
0x3a: {  	[tilespmem:s20+$0xF0] =	vst v0  }
0x3b: {  	[tilespmem:s20+$0xE0] =	vst v0  }
0x3c: {  	[tilespmem:s20+$0xD0] =	vst v0  }
0x3d: {  	[tilespmem:s20+$0xC0] =	vst v0  }
0x3e: {  	[tilespmem:s20+$0xB0] =	vst v0  }
0x3f: {  	[tilespmem:s20+$0xA0] =	vst v0  }
0x40: {  	[tilespmem:s20+$0x90] =	vst v0  }
0x41: {  	[tilespmem:s20+$0x80] =	vst v0  }
0x42: {  	[tilespmem:s20+$0x70] =	vst v0  }
0x43: {  	[tilespmem:s20+$0x60] =	vst v0  }
0x44: {  	[tilespmem:s20+$0x50] =	vst v0  }
0x45: {  	[tilespmem:s20+$0x40] =	vst v0  }
0x46: {  	[tilespmem:s20+$0x30] =	vst v0  }
0x47: {  	[tilespmem:s20+$0x20] =	vst v0  }
0x48: {  	[tilespmem:s20+$0x10] =	vst v0  }
0x49: {  	[tilespmem:s20+$0x0] =	vst v0  }
0x4a: {  	[tilespmem:s20+$0xFFFFFFF0] =	vst v0  }
0x4b: {  	[tilespmem:s20+$0xFFFFFFE0] =	vst v0  }
0x4c: {  	[tilespmem:s20+$0xFFFFFFD0] =	vst v0  }
0x4d: {  	[tilespmem:s20+$0xFFFFFFC0] =	vst v0  }
0x4e: {  	[tilespmem:s20+$0xFFFFFFB0] =	vst v0  }
0x4f: {  	[tilespmem:s20+$0xFFFFFFA0] =	vst v0  }
0x50: {  	[tilespmem:s20+$0xFFFFFF90] =	vst v0  }
0x51: {  	[tilespmem:s20+$0xFFFFFF80] =	vst v0  }
0x52: {  	[tilespmem:s20+$0xFFFFFF70] =	vst v0  }
.Ltmp2:
0x53: {  	[tilespmem:s20+$0xFFFFFF60] =	vst v0;
	(pc) =	sbr.rel @p0 .LBB2_2-.Ltmp2, $4  }
0x54: {  	[tilespmem:s20+$0xFFFFFF50] =	vst v0  }
0x55: {  	[tilespmem:s20+$0xFFFFFF40] =	vst v0  }
0x56: {  	[tilespmem:s20+$0xFFFFFF30] =	vst v0  }
0x57: {  	[tilespmem:s20+$0xFFFFFF20] =	vst v0  }
0x58: {  	[tilespmem:s20+$0xFFFFFF10] =	vst v0;
	s20 =	simm.s32 $0x0;
	s21 =	simm.s32 $0x0  }
.LBB2_4:
0x59: {  	p0 =	sne.s32 s21, $0x5C0  }
.Ltmp3:
0x5a: {  	_ = 	snop;
	(pc) =	sbr.rel @p0 .LBB2_4-.Ltmp3, $3  }
0x5b: {  	_ =	sdelay $0x1  }
0x5c: {  	s22 =	sshra.s32 s21, $0x2  }
0x5d: {  	s21 =	sadd.s32 $0x40, s21;
	[tilespmem:s22+$0x18600] =	vst v0  }
.Ltmp4:
0x5e: {  	_ = 	snop;
	(pc) =	sbr.rel .LBB2_5-.Ltmp4, $1  }
0x5f: {  	_ =	sdelay $0x3  }
.LBB2_11:
0x60: {  	s20 =	sadd.s32 $0x1, s20  }
0x61: {  	p0 =	sne.s32 s20, $0x14  }
.Ltmp5:
0x62: {  	_ = 	snop;
	(pc) =	sbr.rel @!p0 .LBB2_12-.Ltmp5, $1  }
0x63: {  	_ =	sdelay $0x3  }
.LBB2_5:
0x64: {  	s21 =	sshllo.u32 s20, $0x1  }
0x65: {  	p0 =	sge.u32 s21, s6  }
0x66: {  	s21 =	sshll.u32 @!p0 s21, $0x5  }
0x67: {  	s21 =	sor.u32 @!p0 s4, s21  }
0x68: {  	s22 =	smul.u32 @!p0 $0x500, s21  }
0x69: {  	s23 =	simm.s32 @!p0 $0x0  }
0x6a: {  	s24 =	simm.s32 @!p0 $0x1C380;
	s21 =	smul.u32 @!p0 $0x280, s21;
	s22 =	sadd.s32 @!p0 s1, s22  }
0x6b: {  	[tilespmem:s24], [sflag:$0x2] =	stream.linear.gather @!p0 [hbm4b:s22+s23], $0x2800, $0x38;
	[tilespmem:$0x1FF80] =	vst v63  }
0x6c: {  	s21 =	sadd.s32 @!p0 s3, s21;
	s22 =	simm.s32 @!p0 $0x1EB80  }
0x6d: {  	[tilespmem:s22], [sflag:$0x2] =	stream.linear.gather @!p0 [hbm4b:s21+s23], $0x1400, $0x38;
	[tilespmem:$0x1FF80] =	vst v63  }
0x6e: {  	_ =	swait.ge [sflag:s13], $0x2800  }
0x6f: {  	[sflag:s13] =	ssyncset.done $0x0  }
0x70: {  	[sflag:s13] =	ssyncadd.s32 $0xFFFFD800  }
0x71: {  	s31 =	simm.s32 $0x0;
	_ =	swait.ge [sflag:s13], $0x1400  }
0x72: {  	v17 =	vmov s31;
	[sflag:s13] =	ssyncset.done $0x0  }
0x73: {  	v17 =	vshrl.u32 v17, $0x7;
	s21 =	simm.s32 $0x1AFC0;
	[sflag:s13] =	ssyncadd.s32 $0xFFFFEC00  }
0x74: {  	v17 =	vshll.u32 v17, $0x8;
	v18 =	vld [tilespmem:s21+$0x30]  }
0x75: {  	v19 =	vbroadcast v17, $0x0;
	v20 =	vld [tilespmem:s21+$0xFFFFFFD0]  }
0x76: {  	v21 =	vld [tilespmem:s21+$0x0]  }
0x77: {  	v17 =	vor.u32 v16, v19;
	v22 =	vld [tilespmem:s21+$0xFFFFFFF0]  }
0x78: {  	v24 =	vor.u32 v4, v19;
	v23 =	vld [tilespmem:s21+$0xFFFFFFC0]  }
0x79: {  	v26 =	vor.u32 v15, v19;
	v25 =	vld [tilespmem:s21+$0x20]  }
0x7a: {  	v27 =	vor.u32 v10, v19;
	v28 =	vld [tilespmem:s21+$0x10]  }
0x7b: {  	v29 =	vor.u32 v3, v19;
	v30 =	vld [tilespmem:s21+$0xFFFFFFE0]  }
0x7c: {  	v31 =	vor.u32 v8, v19;
	v32 =	vld.idx.msk [tilespmem:v17+s11+$0x0], $0xffff  }
0x7d: {  	v35 =	vor.u32 v7, v19;
	v24 =	vld.idx.msk [tilespmem:v24+s11+$0x0], $0xffff  }
0x7e: {  	v57 =	vor.u32 v9, v19;
	v26 =	vld.idx.msk [tilespmem:v26+s11+$0x0], $0xffff  }
0x7f: {  	v37 =	vor.u32 v13, v19;
	v27 =	vld.idx.msk [tilespmem:v27+s11+$0x0], $0xffff  }
0x80: {  	v33 =	vor.u32 v14, v19;
	v29 =	vld.idx.msk [tilespmem:v29+s11+$0x0], $0xffff  }
0x81: {  	v34 =	vor.u32 v5, v19;
	v17 =	vld.idx.msk [tilespmem:v31+s11+$0x0], $0xffff  }
0x82: {  	v36 =	vor.u32 v11, v19;
	v35 =	vld.idx.msk [tilespmem:v35+s11+$0x0], $0xffff  }
0x83: {  	v59 =	vld.idx.msk [tilespmem:v57+s11+$0x0], $0xffff  }
0x84: {  	v37 =	vld.idx.msk [tilespmem:v37+s11+$0x0], $0xffff  }
0x85: {  	v56 =	vld.idx.msk [tilespmem:v33+s11+$0x0], $0xffff  }
0x86: {  	v34 =	vld.idx.msk [tilespmem:v34+s11+$0x0], $0xffff  }
0x87: {  	v36 =	vld.idx.msk [tilespmem:v36+s11+$0x0], $0xffff  }
0x88: {  	[tilespmem:v26+s5+$0x0] =	vst.idx.add.f32.msk $0xffff, v18  }
0x89: {  	[tilespmem:v29+s5+$0x0] =	vst.idx.add.f32.msk $0xffff, v20  }
0x8a: {  	v38 =	vsub.f32 $0.0e+00, v18;
	v18 =	vor.u32 v6, v19;
	[tilespmem:v35+s5+$0x0] =	vst.idx.add.f32.msk $0xffff, v22  }
0x8b: {  	v60 =	vsub.f32 $0.0e+00, v20;
	v20 =	vor.u32 v1, v19;
	[tilespmem:v59+s5+$0x0] =	vst.idx.add.f32.msk $0xffff, v21  }
0x8c: {  	v58 =	vor.u32 v2, v19;
	v19 =	vor.u32 v12, v19;
	[tilespmem:v37+s5+$0x0] =	vst.idx.add.f32.msk $0xffff, v25  }
0x8d: {  	[tilespmem:v32+s5+$0x0] =	vst.idx.add.f32.msk $0xffff, v38  }
0x8e: {  	[tilespmem:v24+s5+$0x0] =	vst.idx.add.f32.msk $0xffff, v60  }
0x8f: {  	v61 =	vld.idx.msk [tilespmem:v18+s11+$0x0], $0xffff  }
0x90: {  	v20 =	vld.idx.msk [tilespmem:v20+s11+$0x0], $0xffff  }
0x91: {  	v62 =	vsub.f32 $0.0e+00, v21;
	v63 =	vld.idx.msk [tilespmem:v19+s11+$0x0], $0xffff  }
0x92: {  	v18 =	vld.idx.msk [tilespmem:v58+s11+$0x0], $0xffff  }
0x93: {  	[tilespmem:v27+s5+$0x0] =	vst.idx.add.f32.msk $0xffff, v62  }
0x94: {  	[tilespmem:v34+s5+$0x0] =	vst.idx.add.f32.msk $0xffff, v30;
	v19 =	vsub.f32 $0.0e+00, v25  }
0x95: {  	v21 =	vsub.f32 $0.0e+00, v30;
	[tilespmem:v36+s5+$0x0] =	vst.idx.add.f32.msk $0xffff, v28  }
0x96: {  	[tilespmem:v56+s5+$0x0] =	vst.idx.add.f32.msk $0xffff, v19  }
0x97: {  	[tilespmem:v61+s5+$0x0] =	vst.idx.add.f32.msk $0xffff, v21;
	v21 =	vsub.f32 $0.0e+00, v28  }
0x98: {  	[tilespmem:v20+s5+$0x0] =	vst.idx.add.f32.msk $0xffff, v23;
	v20 =	vsub.f32 $0.0e+00, v23  }
0x99: {  	s24 =	simm.s32 $0x80;
	s22 =	sshll.u32 s20, $0x1;
	s23 =	simm.s32 $0x0;
	v19 =	vsub.f32 $0.0e+00, v22;
	[tilespmem:v63+s5+$0x0] =	vst.idx.add.f32.msk $0xffff, v21  }
.LBB2_6:
0x9a: {  	v21 =	vmov s24;
	s23 =	sadd.s32 $0x8, s23;
	[tilespmem:v18+s5+$0x0] =	vst.idx.add.f32.msk $0xffff, v20;
	s21 =	sadd.s32 $0x80, s21  }
0x9b: {  	v18 =	vshrl.u32 v21, $0x7;
	p1 =	slt.u32 s23, $0x138;
	[tilespmem:v17+s5+$0x0] =	vst.idx.add.f32.msk $0xffff, v19  }
0x9c: {  	v17 =	vshll.u32 v18, $0x8;
	v18 =	vld [tilespmem:s21+$0x30]  }
0x9d: {  	v17 =	vbroadcast v17, $0x0;
	v19 =	vld [tilespmem:s21+$0xFFFFFFD0]  }
0x9e: {  	v20 =	vld [tilespmem:s21+$0x0]  }
0x9f: {  	v21 =	vld [tilespmem:s21+$0xFFFFFFF0];
	v22 =	vor.u32 v12, v17;
	v23 =	vor.u32 v14, v17;
	v24 =	vor.u32 v16, v17  }
0xa0: {  	v26 =	vor.u32 v3, v17;
	v27 =	vor.u32 v4, v17;
	v28 =	vor.u32 v8, v17;
	v25 =	vld [tilespmem:s21+$0xFFFFFFC0]  }
0xa1: {  	v29 =	vor.u32 v5, v17;
	v30 =	vor.u32 v10, v17;
	v32 =	vor.u32 v15, v17;
	v31 =	vld [tilespmem:s21+$0x20]  }
0xa2: {  	v33 =	vor.u32 v7, v17;
	v34 =	vld [tilespmem:s21+$0x10]  }
0xa3: {  	v36 =	vor.u32 v9, v17;
	v35 =	vld [tilespmem:s21+$0xFFFFFFE0]  }
0xa4: {  	v37 =	vor.u32 v11, v17;
	v24 =	vld.idx.msk [tilespmem:v24+s11+$0x0], $0xffff  }
0xa5: {  	v38 =	vor.u32 v13, v17;
	v27 =	vld.idx.msk [tilespmem:v27+s11+$0x0], $0xffff  }
0xa6: {  	v32 =	vld.idx.msk [tilespmem:v32+s11+$0x0], $0xffff  }
0xa7: {  	v39 =	vor.u32 v1, v17;
	v30 =	vld.idx.msk [tilespmem:v30+s11+$0x0], $0xffff  }
0xa8: {  	v40 =	vor.u32 v6, v17;
	v26 =	vld.idx.msk [tilespmem:v26+s11+$0x0], $0xffff  }
0xa9: {  	v41 =	vor.u32 v2, v17;
	v17 =	vld.idx.msk [tilespmem:v28+s11+$0x0], $0xffff  }
0xaa: {  	v23 =	vld.idx.msk [tilespmem:v23+s11+$0x0], $0xffff  }
0xab: {  	v28 =	vld.idx.msk [tilespmem:v29+s11+$0x0], $0xffff  }
0xac: {  	v29 =	vld.idx.msk [tilespmem:v33+s11+$0x0], $0xffff  }
0xad: {  	v33 =	vld.idx.msk [tilespmem:v37+s11+$0x0], $0xffff;
	v37 =	vsub.f32 $0.0e+00, v18  }
0xae: {  	[tilespmem:v32+s5+$0x0] =	vst.idx.add.f32.msk $0xffff, v18  }
0xaf: {  	[tilespmem:v24+s5+$0x0] =	vst.idx.add.f32.msk $0xffff, v37  }
0xb0: {  	v32 =	vsub.f32 $0.0e+00, v34;
	v24 =	vld.idx.msk [tilespmem:v36+s11+$0x0], $0xffff  }
0xb1: {  	v18 =	vsub.f32 $0.0e+00, v19;
	v36 =	vld.idx.msk [tilespmem:v38+s11+$0x0], $0xffff  }
0xb2: {  	[tilespmem:v26+s5+$0x0] =	vst.idx.add.f32.msk $0xffff, v19  }
0xb3: {  	[tilespmem:v27+s5+$0x0] =	vst.idx.add.f32.msk $0xffff, v18  }
0xb4: {  	v19 =	vld.idx.msk [tilespmem:v40+s11+$0x0], $0xffff  }
0xb5: {  	v18 =	vld.idx.msk [tilespmem:v41+s11+$0x0], $0xffff  }
0xb6: {  	[tilespmem:v28+s5+$0x0] =	vst.idx.add.f32.msk $0xffff, v35  }
0xb7: {  	[tilespmem:v29+s5+$0x0] =	vst.idx.add.f32.msk $0xffff, v21  }
0xb8: {  	v26 =	vld.idx.msk [tilespmem:v39+s11+$0x0], $0xffff  }
0xb9: {  	v27 =	vsub.f32 $0.0e+00, v20;
	v22 =	vld.idx.msk [tilespmem:v22+s11+$0x0], $0xffff  }
0xba: {  	[tilespmem:v24+s5+$0x0] =	vst.idx.add.f32.msk $0xffff, v20  }
0xbb: {  	v20 =	vsub.f32 $0.0e+00, v31;
	[tilespmem:v30+s5+$0x0] =	vst.idx.add.f32.msk $0xffff, v27  }
0xbc: {  	v24 =	vsub.f32 $0.0e+00, v35;
	[tilespmem:v36+s5+$0x0] =	vst.idx.add.f32.msk $0xffff, v31  }
.Ltmp6:
0xbd: {  	[tilespmem:v23+s5+$0x0] =	vst.idx.add.f32.msk $0xffff, v20;
	(pc) =	sbr.rel @p1 .LBB2_6-.Ltmp6, $4  }
0xbe: {  	[tilespmem:v19+s5+$0x0] =	vst.idx.add.f32.msk $0xffff, v24  }
0xbf: {  	[tilespmem:v33+s5+$0x0] =	vst.idx.add.f32.msk $0xffff, v34  }
0xc0: {  	v20 =	vsub.f32 $0.0e+00, v25;
	v19 =	vsub.f32 $0.0e+00, v21;
	[tilespmem:v26+s5+$0x0] =	vst.idx.add.f32.msk $0xffff, v25  }
0xc1: {  	s24 =	sadd.s32 $0x80, s24;
	[tilespmem:v22+s5+$0x0] =	vst.idx.add.f32.msk $0xffff, v32  }
0xc2: {  	s21 =	sadd.s32 $0x2, s22  }
0xc3: {  	p1 =	sge.u32 s21, s6  }
0xc4: {  	s21 =	sshll.u32 @!p1 s21, $0x5  }
0xc5: {  	s21 =	sor.u32 @!p1 s4, s21  }
0xc6: {  	s22 =	smul.u32 @!p1 $0x500, s21  }
.Ltmp7:
0xc7: {  	[tilespmem:v18+s5+$0x0] =	vst.idx.add.f32.msk $0xffff, v20;
	s23 =	simm.s32 @!p1 $0x0;
	(pc) =	sbr.rel @p0 .LBB2_11-.Ltmp7, $4  }
0xc8: {  	[tilespmem:v17+s5+$0x0] =	vst.idx.add.f32.msk $0xffff, v19;
	s24 =	simm.s32 @!p1 $0x18780;
	s21 =	smul.u32 @!p1 $0x280, s21;
	s22 =	sadd.s32 @!p1 s1, s22  }
0xc9: {  	[tilespmem:s24], [sflag:$0x1] =	stream.linear.gather @!p1 [hbm4b:s22+s23], $0x2800, $0x38;
	[tilespmem:$0x1FF80] =	vst v63  }
0xca: {  	s21 =	sadd.s32 @!p1 s3, s21;
	s22 =	simm.s32 @!p1 $0x1AF80  }
0xcb: {  	[tilespmem:s22], [sflag:$0x1] =	stream.linear.gather @!p1 [hbm4b:s21+s23], $0x1400, $0x38;
	[tilespmem:$0x1FF80] =	vst v63  }
0xcc: {  	_ =	swait.ge [sflag:s14], $0x2800  }
0xcd: {  	[sflag:s14] =	ssyncset.done $0x0  }
0xce: {  	[sflag:s14] =	ssyncadd.s32 $0xFFFFD800  }
0xcf: {  	s21 =	simm.s32 $0x0;
	_ =	swait.ge [sflag:s14], $0x1400  }
0xd0: {  	v17 =	vmov s21;
	[sflag:s14] =	ssyncset.done $0x0  }
0xd1: {  	s21 =	simm.s32 $0x1EBC0;
	v17 =	vshrl.u32 v17, $0x7;
	[sflag:s14] =	ssyncadd.s32 $0xFFFFEC00  }
0xd2: {  	v17 =	vshll.u32 v17, $0x8;
	v18 =	vld [tilespmem:s21+$0x30]  }
0xd3: {  	v19 =	vbroadcast v17, $0x0;
	v20 =	vld [tilespmem:s21+$0xFFFFFFD0]  }
0xd4: {  	v21 =	vld [tilespmem:s21+$0x0]  }
0xd5: {  	v22 =	vld [tilespmem:s21+$0xFFFFFFF0];
	v17 =	vor.u32 v16, v19  }
0xd6: {  	v23 =	vld [tilespmem:s21+$0xFFFFFFC0];
	v24 =	vor.u32 v4, v19  }
0xd7: {  	v25 =	vld [tilespmem:s21+$0x20];
	v26 =	vor.u32 v15, v19  }
0xd8: {  	v27 =	vor.u32 v10, v19;
	v28 =	vld [tilespmem:s21+$0x10]  }
0xd9: {  	v29 =	vor.u32 v3, v19;
	v30 =	vld [tilespmem:s21+$0xFFFFFFE0]  }
0xda: {  	v31 =	vor.u32 v8, v19;
	v32 =	vld.idx.msk [tilespmem:v17+s15+$0x0], $0xffff  }
0xdb: {  	v35 =	vor.u32 v7, v19;
	v24 =	vld.idx.msk [tilespmem:v24+s15+$0x0], $0xffff  }
0xdc: {  	v57 =	vor.u32 v9, v19;
	v26 =	vld.idx.msk [tilespmem:v26+s15+$0x0], $0xffff  }
0xdd: {  	v37 =	vor.u32 v13, v19;
	v27 =	vld.idx.msk [tilespmem:v27+s15+$0x0], $0xffff  }
0xde: {  	v33 =	vor.u32 v14, v19;
	v29 =	vld.idx.msk [tilespmem:v29+s15+$0x0], $0xffff  }
0xdf: {  	v34 =	vor.u32 v5, v19;
	v17 =	vld.idx.msk [tilespmem:v31+s15+$0x0], $0xffff  }
0xe0: {  	v36 =	vor.u32 v11, v19;
	v35 =	vld.idx.msk [tilespmem:v35+s15+$0x0], $0xffff  }
0xe1: {  	v59 =	vld.idx.msk [tilespmem:v57+s15+$0x0], $0xffff  }
0xe2: {  	v37 =	vld.idx.msk [tilespmem:v37+s15+$0x0], $0xffff  }
0xe3: {  	v56 =	vld.idx.msk [tilespmem:v33+s15+$0x0], $0xffff  }
0xe4: {  	v34 =	vld.idx.msk [tilespmem:v34+s15+$0x0], $0xffff  }
0xe5: {  	v36 =	vld.idx.msk [tilespmem:v36+s15+$0x0], $0xffff  }
0xe6: {  	[tilespmem:v26+s5+$0x0] =	vst.idx.add.f32.msk $0xffff, v18  }
0xe7: {  	[tilespmem:v29+s5+$0x0] =	vst.idx.add.f32.msk $0xffff, v20  }
0xe8: {  	v38 =	vsub.f32 $0.0e+00, v18;
	v18 =	vor.u32 v6, v19;
	[tilespmem:v35+s5+$0x0] =	vst.idx.add.f32.msk $0xffff, v22  }
0xe9: {  	v60 =	vsub.f32 $0.0e+00, v20;
	v20 =	vor.u32 v1, v19;
	[tilespmem:v59+s5+$0x0] =	vst.idx.add.f32.msk $0xffff, v21  }
0xea: {  	v58 =	vor.u32 v2, v19;
	v19 =	vor.u32 v12, v19;
	[tilespmem:v37+s5+$0x0] =	vst.idx.add.f32.msk $0xffff, v25  }
0xeb: {  	[tilespmem:v32+s5+$0x0] =	vst.idx.add.f32.msk $0xffff, v38  }
0xec: {  	[tilespmem:v24+s5+$0x0] =	vst.idx.add.f32.msk $0xffff, v60  }
0xed: {  	v61 =	vld.idx.msk [tilespmem:v18+s15+$0x0], $0xffff  }
0xee: {  	v20 =	vld.idx.msk [tilespmem:v20+s15+$0x0], $0xffff  }
0xef: {  	v62 =	vsub.f32 $0.0e+00, v21;
	v63 =	vld.idx.msk [tilespmem:v19+s15+$0x0], $0xffff  }
0xf0: {  	v18 =	vld.idx.msk [tilespmem:v58+s15+$0x0], $0xffff  }
0xf1: {  	[tilespmem:v27+s5+$0x0] =	vst.idx.add.f32.msk $0xffff, v62  }
0xf2: {  	[tilespmem:v34+s5+$0x0] =	vst.idx.add.f32.msk $0xffff, v30;
	v19 =	vsub.f32 $0.0e+00, v25  }
0xf3: {  	v21 =	vsub.f32 $0.0e+00, v30;
	[tilespmem:v36+s5+$0x0] =	vst.idx.add.f32.msk $0xffff, v28  }
0xf4: {  	[tilespmem:v56+s5+$0x0] =	vst.idx.add.f32.msk $0xffff, v19  }
0xf5: {  	[tilespmem:v61+s5+$0x0] =	vst.idx.add.f32.msk $0xffff, v21;
	v21 =	vsub.f32 $0.0e+00, v28  }
0xf6: {  	[tilespmem:v20+s5+$0x0] =	vst.idx.add.f32.msk $0xffff, v23;
	v20 =	vsub.f32 $0.0e+00, v23  }
0xf7: {  	s22 =	simm.s32 $0x0;
	s23 =	simm.s32 $0x80;
	v19 =	vsub.f32 $0.0e+00, v22;
	[tilespmem:v63+s5+$0x0] =	vst.idx.add.f32.msk $0xffff, v21  }
.LBB2_9:
0xf8: {  	v21 =	vmov s23;
	s22 =	sadd.s32 $0x8, s22;
	[tilespmem:v18+s5+$0x0] =	vst.idx.add.f32.msk $0xffff, v20;
	s21 =	sadd.s32 $0x80, s21  }
0xf9: {  	v18 =	vshrl.u32 v21, $0x7;
	p0 =	slt.u32 s22, $0x138;
	[tilespmem:v17+s5+$0x0] =	vst.idx.add.f32.msk $0xffff, v19  }
0xfa: {  	v17 =	vshll.u32 v18, $0x8;
	v18 =	vld [tilespmem:s21+$0x30]  }
0xfb: {  	v17 =	vbroadcast v17, $0x0;
	v19 =	vld [tilespmem:s21+$0xFFFFFFD0]  }
0xfc: {  	v20 =	vld [tilespmem:s21+$0x0]  }
0xfd: {  	v21 =	vld [tilespmem:s21+$0xFFFFFFF0];
	v22 =	vor.u32 v12, v17;
	v23 =	vor.u32 v14, v17;
	v24 =	vor.u32 v16, v17  }
0xfe: {  	v26 =	vor.u32 v3, v17;
	v27 =	vor.u32 v4, v17;
	v28 =	vor.u32 v8, v17;
	v25 =	vld [tilespmem:s21+$0xFFFFFFC0]  }
0xff: {  	v29 =	vor.u32 v5, v17;
	v30 =	vor.u32 v10, v17;
	v32 =	vor.u32 v15, v17;
	v31 =	vld [tilespmem:s21+$0x20]  }
0x100: {  	v33 =	vor.u32 v7, v17;
	v34 =	vld [tilespmem:s21+$0x10]  }
0x101: {  	v36 =	vor.u32 v9, v17;
	v35 =	vld [tilespmem:s21+$0xFFFFFFE0]  }
0x102: {  	v37 =	vor.u32 v11, v17;
	v24 =	vld.idx.msk [tilespmem:v24+s15+$0x0], $0xffff  }
0x103: {  	v38 =	vor.u32 v13, v17;
	v27 =	vld.idx.msk [tilespmem:v27+s15+$0x0], $0xffff  }
0x104: {  	v32 =	vld.idx.msk [tilespmem:v32+s15+$0x0], $0xffff  }
0x105: {  	v39 =	vor.u32 v1, v17;
	v30 =	vld.idx.msk [tilespmem:v30+s15+$0x0], $0xffff  }
0x106: {  	v40 =	vor.u32 v6, v17;
	v26 =	vld.idx.msk [tilespmem:v26+s15+$0x0], $0xffff  }
0x107: {  	v41 =	vor.u32 v2, v17;
	v17 =	vld.idx.msk [tilespmem:v28+s15+$0x0], $0xffff  }
0x108: {  	v23 =	vld.idx.msk [tilespmem:v23+s15+$0x0], $0xffff  }
0x109: {  	v28 =	vld.idx.msk [tilespmem:v29+s15+$0x0], $0xffff  }
0x10a: {  	v29 =	vld.idx.msk [tilespmem:v33+s15+$0x0], $0xffff  }
0x10b: {  	v33 =	vld.idx.msk [tilespmem:v37+s15+$0x0], $0xffff;
	v37 =	vsub.f32 $0.0e+00, v18  }
0x10c: {  	[tilespmem:v32+s5+$0x0] =	vst.idx.add.f32.msk $0xffff, v18  }
0x10d: {  	[tilespmem:v24+s5+$0x0] =	vst.idx.add.f32.msk $0xffff, v37  }
0x10e: {  	v32 =	vsub.f32 $0.0e+00, v34;
	v24 =	vld.idx.msk [tilespmem:v36+s15+$0x0], $0xffff  }
0x10f: {  	v18 =	vsub.f32 $0.0e+00, v19;
	v36 =	vld.idx.msk [tilespmem:v38+s15+$0x0], $0xffff  }
0x110: {  	[tilespmem:v26+s5+$0x0] =	vst.idx.add.f32.msk $0xffff, v19  }
0x111: {  	[tilespmem:v27+s5+$0x0] =	vst.idx.add.f32.msk $0xffff, v18  }
0x112: {  	v19 =	vld.idx.msk [tilespmem:v40+s15+$0x0], $0xffff  }
0x113: {  	v18 =	vld.idx.msk [tilespmem:v41+s15+$0x0], $0xffff  }
0x114: {  	[tilespmem:v28+s5+$0x0] =	vst.idx.add.f32.msk $0xffff, v35  }
0x115: {  	[tilespmem:v29+s5+$0x0] =	vst.idx.add.f32.msk $0xffff, v21  }
0x116: {  	v26 =	vld.idx.msk [tilespmem:v39+s15+$0x0], $0xffff  }
0x117: {  	v27 =	vsub.f32 $0.0e+00, v20;
	v22 =	vld.idx.msk [tilespmem:v22+s15+$0x0], $0xffff  }
0x118: {  	[tilespmem:v24+s5+$0x0] =	vst.idx.add.f32.msk $0xffff, v20  }
0x119: {  	v20 =	vsub.f32 $0.0e+00, v31;
	[tilespmem:v30+s5+$0x0] =	vst.idx.add.f32.msk $0xffff, v27  }
0x11a: {  	v24 =	vsub.f32 $0.0e+00, v35;
	[tilespmem:v36+s5+$0x0] =	vst.idx.add.f32.msk $0xffff, v31  }
.Ltmp8:
0x11b: {  	[tilespmem:v23+s5+$0x0] =	vst.idx.add.f32.msk $0xffff, v20;
	(pc) =	sbr.rel @p0 .LBB2_9-.Ltmp8, $4  }
0x11c: {  	[tilespmem:v19+s5+$0x0] =	vst.idx.add.f32.msk $0xffff, v24  }
0x11d: {  	[tilespmem:v33+s5+$0x0] =	vst.idx.add.f32.msk $0xffff, v34  }
0x11e: {  	v20 =	vsub.f32 $0.0e+00, v25;
	v19 =	vsub.f32 $0.0e+00, v21;
	[tilespmem:v26+s5+$0x0] =	vst.idx.add.f32.msk $0xffff, v25  }
0x11f: {  	s23 =	sadd.s32 $0x80, s23;
	[tilespmem:v22+s5+$0x0] =	vst.idx.add.f32.msk $0xffff, v32  }
0x120: {  	_ = 	snop  }
.Ltmp9:
0x121: {  	_ = 	snop;
	(pc) =	sbr.rel .LBB2_11-.Ltmp9, $3  }
0x122: {  	_ =	sdelay $0x1  }
0x123: {  	[tilespmem:v18+s5+$0x0] =	vst.idx.add.f32.msk $0xffff, v20  }
0x124: {  	[tilespmem:v17+s5+$0x0] =	vst.idx.add.f32.msk $0xffff, v19  }
.LBB2_13:
0x125: {  	_ =	sfence.sel $0x180000  }
0x126: {  	[bflag:$0x0] =	sbarrier.arrive $0xFFFF  }
0x127: {  	p0 =	sne.s32 s0, $0x0;
	_ =	strace $0x90000047  }
0x128: {  	s0 =	sadd.s32 @!p0 $0x100000, s2;
	[bflag:$0x2] =	sbarrier.arrive $0xFFFF  }
0x129: {  	[sflag:s0] =	ssyncadd.tile.s32 @!p0 $0x1;
	_ =	shalt  }
.Lfunc_end2:
_tile_overlayer_lowered:
.L_overlay_start_2:
0x12a: {  	(tag) =	ssettag $0x2  }
0x12b: {  	s0 =	rddreg [dreg:$0x0];
	s2 =	stileid.u32  }
0x12c: {  	s1 =	rddreg [dreg:$0x1];
	p0 =	sne.s32 s2, $0x0  }
0x12d: {  	s3 =	rddreg [dreg:$0x2];
	[bflag:$0x3] =	sbarrier.arrive $0xFFFF;
	s2 =	simm.s32 @!p0 $0x1C03  }
0x12e: {  	[timem:s3], [sflag:s2] =	dma.local @!p0 [hbm:s0], s1  }
0x12f: {  	s0 =	simm.s32 @!p0 $0x3  }
0x130: {  	_ =	swait.ge @!p0 [sflag:s0], s1  }
0x131: {  	s1 =	ssub.s32 @!p0 $0x0, s1;
	[sflag:s0] =	ssyncset.done @!p0 $0x0  }
0x132: {  	[sflag:s0] =	ssyncadd.s32 @!p0 s1  }
0x133: {  	[bflag:$0x3] =	sbarrier.arrive $0xFFFF  }
0x134: {  	_ =	shalt  }

</sc_bundles>
